<compile_context>
chip_gen: v7x
topology: tpu7x:2x2x1
jax: 0.10.2.dev20260603
libtpu: 0.0.44.dev20260713+nightly
codegen_flags: <defaults>
</compile_context>

<pallas_src>
import functools

import jax
import jax.numpy as jnp
from jax import lax
from jax.experimental import pallas as pl
from jax.experimental.pallas import tpu as pltpu
from jax.experimental.pallas import tpu_sc as plsc

BATCH = 4096
SEQ = 200
D = 64
DECAY = 1e-05
NCORES = 2
NSUB = 16
NW = NCORES * NSUB
BPW = BATCH // NW
NCH = 5
CH = SEQ // NCH
LANES = 16
NVR = D // LANES


def _sc_body(his_hbm, uid_hbm, mid_hbm, table_hbm,
             pooled_hbm, pos_hbm, neg_hbm,
             idx_v, rows_v, pooled_v, gidx_v, grow_v, sem):
    wid = lax.axis_index("s") * NCORES + lax.axis_index("c")
    base = wid * BPW

    pltpu.sync_copy(his_hbm.at[pl.ds(base, BPW)], idx_v)

    def item_body(i, carry):
        cps = [
            pltpu.async_copy(table_hbm.at[idx_v.at[i, j]],
                             rows_v.at[pl.ds(j * CH, CH)], sem)
            for j in range(NCH)
        ]
        for cp in cps:
            cp.wait()

        def row_body(r, accs):
            return tuple(accs[c] + rows_v[r, pl.ds(c * LANES, LANES)]
                         for c in range(NVR))

        z = jnp.zeros((LANES,), jnp.float32)
        accs = lax.fori_loop(0, SEQ, row_body, (z,) * NVR)
        for c in range(NVR):
            pooled_v[i, pl.ds(c * LANES, LANES)] = accs[c]
        return carry

    lax.fori_loop(0, BPW, item_body, 0)
    pltpu.sync_copy(pooled_v, pooled_hbm.at[pl.ds(base, BPW)])

    pltpu.sync_copy(uid_hbm.at[pl.ds(base, BPW)], gidx_v)
    pltpu.async_copy(table_hbm.at[gidx_v], grow_v, sem).wait()
    pltpu.sync_copy(grow_v, pos_hbm.at[pl.ds(base, BPW)])
    pltpu.sync_copy(mid_hbm.at[pl.ds(base, BPW)], gidx_v)
    pltpu.async_copy(table_hbm.at[gidx_v], grow_v, sem).wait()
    pltpu.sync_copy(grow_v, neg_hbm.at[pl.ds(base, BPW)])


_sc_pool = functools.partial(
    pl.kernel,
    out_type=[jax.ShapeDtypeStruct((BATCH, D), jnp.float32)] * 3,
    mesh=plsc.VectorSubcoreMesh(core_axis_name="c", subcore_axis_name="s"),
    compiler_params=pltpu.CompilerParams(use_tc_tiling_on_sc=False),
    scratch_types=[
        pltpu.VMEM((BPW, NCH, CH), jnp.int32),
        pltpu.VMEM((SEQ, D), jnp.float32),
        pltpu.VMEM((BPW, D), jnp.float32),
        pltpu.VMEM((BPW,), jnp.int32),
        pltpu.VMEM((BPW, D), jnp.float32),
        pltpu.SemaphoreType.DMA,
    ],
)(_sc_body)


def _tc_body(pooled_ref, mask_ref, pos_ref, neg_ref, w_ref, b_ref,
             user_ref, mf_ref, emb_ref, bpr_ref):
    mask = mask_ref[...]
    denom = jnp.sum(mask, axis=1, keepdims=True) + 1e-9
    mean = pooled_ref[...] / denom
    user = jnp.dot(mean, w_ref[...],
                   preferred_element_type=jnp.float32) + b_ref[...]
    user_ref[...] = user
    pos = pos_ref[...]
    neg = neg_ref[...]
    x = jnp.sum(user * (neg - pos), axis=1, keepdims=True)
    sp = jnp.maximum(x, 0.0) + jnp.log1p(jnp.exp(-jnp.abs(x)))
    mf = jnp.sum(sp) / BATCH
    reg = 0.5 * (jnp.sum(user * user) + jnp.sum(pos * pos)
                 + jnp.sum(neg * neg)) / BATCH
    emb = DECAY * reg
    mf_ref[0, 0] = mf
    emb_ref[0, 0] = emb
    bpr_ref[0, 0] = mf + emb


_tc_call = pl.pallas_call(
    _tc_body,
    out_shape=[
        jax.ShapeDtypeStruct((BATCH, D), jnp.float32),
        jax.ShapeDtypeStruct((1, 1), jnp.float32),
        jax.ShapeDtypeStruct((1, 1), jnp.float32),
        jax.ShapeDtypeStruct((1, 1), jnp.float32),
    ],
    out_specs=[
        pl.BlockSpec(memory_space=pltpu.VMEM),
        pl.BlockSpec(memory_space=pltpu.SMEM),
        pl.BlockSpec(memory_space=pltpu.SMEM),
        pl.BlockSpec(memory_space=pltpu.SMEM),
    ],
)


def kernel(uid_batch_ph, mid_batch_ph, mid_his_batch_ph, mask,
           mid_embeddings_var, uid_embeddings_var, dense_W, dense_b):
    his3 = mid_his_batch_ph.reshape(BATCH, NCH, CH)
    pooled, pos, neg = _sc_pool(his3, uid_batch_ph, mid_batch_ph,
                                mid_embeddings_var)
    user, mf, embl, bpr = _tc_call(pooled, mask, pos, neg, dense_W,
                                   dense_b.reshape(1, D))
    return user, mf.reshape(()), embl.reshape(()), bpr.reshape(())

# --- scband reference (transcript-rebuilt; emitter-appended) ---
"""Pipeline reference for scband-model-dnn-81518479278094 (READ-ONLY COPY).

The authoritative reference and input builder live on the scoring server;
editing this copy changes nothing except your own understanding.
"""

import jax, jax.numpy as jnp
import numpy as np

N_UID = 100000
N_MID = 100000
EMBED_DIM = 64
HIDDEN_SIZE = 64
BATCH = 4096
SEQ_LEN = 200
DECAY = 1e-05


def setup_inputs(seed: int = 0) -> dict:
    key = jax.random.key(seed)
    k1, k2, k3, k4, k5, k6 = jax.random.split(key, 6)
    uid_batch_ph = jax.random.randint(k1, (BATCH,), 0, N_UID, dtype=jnp.int32)
    mid_batch_ph = jax.random.randint(k2, (BATCH,), 0, N_MID, dtype=jnp.int32)
    mid_his_batch_ph = jax.random.randint(k3, (BATCH, SEQ_LEN), 0, N_MID, dtype=jnp.int32)
    mask = jnp.ones((BATCH, SEQ_LEN), dtype=jnp.float32)
    mid_embeddings_var = jax.random.normal(k4, (N_MID, EMBED_DIM), dtype=jnp.float32) * 0.01
    uid_embeddings_var = jax.random.normal(k5, (N_UID, EMBED_DIM), dtype=jnp.float32) * 0.01
    dense_W = jax.random.normal(k6, (EMBED_DIM, HIDDEN_SIZE), dtype=jnp.float32) * (1.0 / np.sqrt(EMBED_DIM))
    dense_b = jnp.zeros((HIDDEN_SIZE,), dtype=jnp.float32)
    return {
        'uid_batch_ph': uid_batch_ph,
        'mid_batch_ph': mid_batch_ph,
        'mid_his_batch_ph': mid_his_batch_ph,
        'mask': mask,
        'mid_embeddings_var': mid_embeddings_var,
        'uid_embeddings_var': uid_embeddings_var,
        'dense_W': dense_W,
        'dense_b': dense_b,
    }


def reference(uid_batch_ph, mid_batch_ph, mid_his_batch_ph, mask,
              mid_embeddings_var, uid_embeddings_var, dense_W, dense_b):
    def l2_loss(x):
        return 0.5 * jnp.sum(x * x)

    # Embedding lookups (SparseCore gathers)
    mid_batch_embedded = jnp.take(mid_embeddings_var, mid_batch_ph, axis=0)
    mid_his_batch_embedded = jnp.take(mid_embeddings_var, mid_his_batch_ph, axis=0)
    uid_batch_embedded = jnp.take(uid_embeddings_var, uid_batch_ph, axis=0)

    # Masked history embeddings
    item_his_eb = mid_his_batch_embedded * jnp.reshape(mask, (-1, SEQ_LEN, 1))

    # Note: original code looks up pos items with uid indices (kept faithful)
    pos_i_g_embeddings = jnp.take(mid_embeddings_var, uid_batch_ph, axis=0)
    neg_i_g_embeddings = jnp.take(mid_embeddings_var, mid_batch_ph, axis=0)

    # masks = concat of expanded mask along last dim, embedding_dim copies
    masks = jnp.broadcast_to(mask[:, :, None], (mask.shape[0], mask.shape[1], EMBED_DIM))
    item_his_eb_mean = jnp.sum(item_his_eb, axis=1) / (jnp.sum(masks, axis=1) + 1e-09)

    # dense layer (no activation)
    user_eb = item_his_eb_mean @ dense_W + dense_b

    # BPR loss
    pos_scores = jnp.sum(user_eb * pos_i_g_embeddings, axis=1)
    neg_scores = jnp.sum(user_eb * neg_i_g_embeddings, axis=1)
    regularizer = (l2_loss(user_eb) + l2_loss(pos_i_g_embeddings) + l2_loss(neg_i_g_embeddings)) / BATCH
    mf_loss = jnp.mean(jax.nn.softplus(-(pos_scores - neg_scores)))
    emb_loss = DECAY * regularizer
    bpr_loss = mf_loss + emb_loss
    return (user_eb, mf_loss, emb_loss, bpr_loss)

if __name__ == "__main__":
    import jax
    _d = setup_inputs()
    print(jax.jit(kernel)(*tuple(_d.values())))

</pallas_src>

<mosaic_0001>
#map = affine_map<(d0, d1) -> (0, 0, 0)>
#map1 = affine_map<(d0, d1) -> (0)>
#map2 = affine_map<(d0, d1) -> (0, 0)>
module attributes {stable_mosaic.version = 14 : i64} {
  func.func @_sc_body(%arg0: i32, %arg1: i32, %arg2: memref<4096x5x40xi32, #tpu.memory_space<hbm>>, %arg3: memref<4096xi32, #tpu.memory_space<hbm>>, %arg4: memref<4096xi32, #tpu.memory_space<hbm>>, %arg5: memref<100000x64xf32, #tpu.memory_space<hbm>>, %arg6: memref<4096x64xf32, #tpu.memory_space<hbm>>, %arg7: memref<4096x64xf32, #tpu.memory_space<hbm>>, %arg8: memref<4096x64xf32, #tpu.memory_space<hbm>>, %arg9: memref<128x5x40xi32, #tpu.memory_space<vmem>>, %arg10: memref<200x64xf32, #tpu.memory_space<vmem>>, %arg11: memref<128x64xf32, #tpu.memory_space<vmem>>, %arg12: memref<128xi32, #tpu.memory_space<vmem>>, %arg13: memref<128x64xf32, #tpu.memory_space<vmem>>, %arg14: memref<!tpu.dma_semaphore, #tpu.memory_space<semaphore_mem>>) attributes {dimension_semantics = [#tpu.dimension_semantics<core_parallel>, #tpu.dimension_semantics<subcore_parallel>], iteration_bounds = array<i64: 2, 16>, scalar_prefetch = 0 : i64, scratch_operands = 6 : i64, tpu.core_type = #tpu.core_type<sc_vector_subcore>, window_params = [{transform_indices = #map}, {transform_indices = #map1}, {transform_indices = #map1}, {transform_indices = #map2}, {transform_indices = #map2}, {transform_indices = #map2}, {transform_indices = #map2}]} {
    %mul3A = arith.constant 2 : i32
    %mul3A_0 = arith.muli %arg1, %mul3A : i32
    %add3A = arith.addi %mul3A_0, %arg0 : i32
    %mul3A_1 = arith.constant 128 : i32
    %mul3A_2 = arith.muli %add3A, %mul3A_1 : i32
    "tpu.region"() ({
      %run_scoped3A = tpu.sem_alloc : memref<!tpu.dma_semaphore, #tpu.memory_space<semaphore_mem>>
      %dma_start3A_18 = arith.constant 0 : i32
      %dma_start3A_19 = arith.constant 0 : i32
      %dma_start3A_20 = tpu.memref_slice %arg2[%mul3A_2, %dma_start3A_18, %dma_start3A_19] : memref<4096x5x40xi32, #tpu.memory_space<hbm>> -> memref<128x5x40xi32, #tpu.memory_space<hbm>>
      %dma_start3A_21 = arith.constant 0 : i32
      %dma_start3A_22 = arith.constant 0 : i32
      %dma_start3A_23 = tpu.memref_slice %arg2[%mul3A_2, %dma_start3A_21, %dma_start3A_22] : memref<4096x5x40xi32, #tpu.memory_space<hbm>> -> memref<128x5x40xi32, #tpu.memory_space<hbm>>
      tpu.enqueue_dma source(%dma_start3A_23 : memref<128x5x40xi32, #tpu.memory_space<hbm>>) target(%arg9 : memref<128x5x40xi32, #tpu.memory_space<vmem>>) target_semaphore(%run_scoped3A : memref<!tpu.dma_semaphore, #tpu.memory_space<semaphore_mem>>)
      %dma_wait3A_24 = arith.constant 0 : i32
      %dma_wait3A_25 = arith.constant 0 : i32
      %dma_wait3A_26 = tpu.memref_slice %arg2[%mul3A_2, %dma_wait3A_24, %dma_wait3A_25] : memref<4096x5x40xi32, #tpu.memory_space<hbm>> -> memref<128x5x40xi32, #tpu.memory_space<hbm>>
      %dma_wait3A_27 = arith.constant 0 : i32
      %dma_wait3A_28 = arith.constant 0 : i32
      %dma_wait3A_29 = tpu.memref_slice %arg2[%mul3A_2, %dma_wait3A_27, %dma_wait3A_28] : memref<4096x5x40xi32, #tpu.memory_space<hbm>> -> memref<128x5x40xi32, #tpu.memory_space<hbm>>
      tpu.wait_dma2 semaphore(%run_scoped3A : memref<!tpu.dma_semaphore, #tpu.memory_space<semaphore_mem>>) src(%dma_wait3A_29 : memref<128x5x40xi32, #tpu.memory_space<hbm>>) dst(%arg9 : memref<128x5x40xi32, #tpu.memory_space<vmem>>)
      tpu.yield
    }) : () -> ()
    %scan3A = arith.constant 0 : i32
    %scan3A_3 = arith.constant 0 : i32
    %scan3A_4 = arith.constant 128 : i32
    %scan3A_5 = arith.addi %scan3A_3, %scan3A_4 : i32
    %scan3A_6 = arith.constant 1 : i32
    scf.for %scan3A_18 = %scan3A_3 to %scan3A_5 step %scan3A_6  : i32 {
      %dma_start3A_19 = arith.constant 0 : i32
      %dma_start3A_20 = arith.constant 0 : i32
      %dma_start3A_21 = arith.constant 0 : i32
      %dma_start3A_22 = tpu.memref_slice %arg10[%dma_start3A_20, %dma_start3A_21] : memref<200x64xf32, #tpu.memory_space<vmem>> -> memref<40x64xf32, #tpu.memory_space<vmem>>
      %dma_start3A_23 = arith.constant 0 : i32
      %dma_start3A_24 = tpu.memref_slice %arg9[%scan3A_18, %dma_start3A_19, %dma_start3A_23] : memref<128x5x40xi32, #tpu.memory_space<vmem>> -> memref<1x1x40xi32, #tpu.memory_space<vmem>>
      %dma_start3A_25 = tpu.memref_squeeze %dma_start3A_24 : memref<1x1x40xi32, #tpu.memory_space<vmem>> -> memref<40xi32, #tpu.memory_space<vmem>>
      %dma_start3A_26 = arith.constant 0 : i32
      %dma_start3A_27 = arith.constant 0 : i32
      %dma_start3A_28 = tpu.memref_slice %arg5[%dma_start3A_26, %dma_start3A_27] : memref<100000x64xf32, #tpu.memory_space<hbm>> -> memref<100000x64xf32, #tpu.memory_space<hbm>>
      tpu.enqueue_indirect_dma source(%dma_start3A_28 : memref<100000x64xf32, #tpu.memory_space<hbm>>) target(%dma_start3A_22 : memref<40x64xf32, #tpu.memory_space<vmem>>) offsets(%dma_start3A_25 : memref<40xi32, #tpu.memory_space<vmem>>) semaphore(%arg14 : memref<!tpu.dma_semaphore, #tpu.memory_space<semaphore_mem>>)
      %dma_start3A_29 = arith.constant 1 : i32
      %dma_start3A_30 = arith.constant 40 : i32
      %dma_start3A_31 = arith.constant 0 : i32
      %dma_start3A_32 = tpu.memref_slice %arg10[%dma_start3A_30, %dma_start3A_31] : memref<200x64xf32, #tpu.memory_space<vmem>> -> memref<40x64xf32, #tpu.memory_space<vmem>>
      %dma_start3A_33 = arith.constant 0 : i32
      %dma_start3A_34 = tpu.memref_slice %arg9[%scan3A_18, %dma_start3A_29, %dma_start3A_33] : memref<128x5x40xi32, #tpu.memory_space<vmem>> -> memref<1x1x40xi32, #tpu.memory_space<vmem>>
      %dma_start3A_35 = tpu.memref_squeeze %dma_start3A_34 : memref<1x1x40xi32, #tpu.memory_space<vmem>> -> memref<40xi32, #tpu.memory_space<vmem>>
      %dma_start3A_36 = arith.constant 0 : i32
      %dma_start3A_37 = arith.constant 0 : i32
      %dma_start3A_38 = tpu.memref_slice %arg5[%dma_start3A_36, %dma_start3A_37] : memref<100000x64xf32, #tpu.memory_space<hbm>> -> memref<100000x64xf32, #tpu.memory_space<hbm>>
      tpu.enqueue_indirect_dma source(%dma_start3A_38 : memref<100000x64xf32, #tpu.memory_space<hbm>>) target(%dma_start3A_32 : memref<40x64xf32, #tpu.memory_space<vmem>>) offsets(%dma_start3A_35 : memref<40xi32, #tpu.memory_space<vmem>>) semaphore(%arg14 : memref<!tpu.dma_semaphore, #tpu.memory_space<semaphore_mem>>)
      %dma_start3A_39 = arith.constant 2 : i32
      %dma_start3A_40 = arith.constant 80 : i32
      %dma_start3A_41 = arith.constant 0 : i32
      %dma_start3A_42 = tpu.memref_slice %arg10[%dma_start3A_40, %dma_start3A_41] : memref<200x64xf32, #tpu.memory_space<vmem>> -> memref<40x64xf32, #tpu.memory_space<vmem>>
      %dma_start3A_43 = arith.constant 0 : i32
      %dma_start3A_44 = tpu.memref_slice %arg9[%scan3A_18, %dma_start3A_39, %dma_start3A_43] : memref<128x5x40xi32, #tpu.memory_space<vmem>> -> memref<1x1x40xi32, #tpu.memory_space<vmem>>
      %dma_start3A_45 = tpu.memref_squeeze %dma_start3A_44 : memref<1x1x40xi32, #tpu.memory_space<vmem>> -> memref<40xi32, #tpu.memory_space<vmem>>
      %dma_start3A_46 = arith.constant 0 : i32
      %dma_start3A_47 = arith.constant 0 : i32
      %dma_start3A_48 = tpu.memref_slice %arg5[%dma_start3A_46, %dma_start3A_47] : memref<100000x64xf32, #tpu.memory_space<hbm>> -> memref<100000x64xf32, #tpu.memory_space<hbm>>
      tpu.enqueue_indirect_dma source(%dma_start3A_48 : memref<100000x64xf32, #tpu.memory_space<hbm>>) target(%dma_start3A_42 : memref<40x64xf32, #tpu.memory_space<vmem>>) offsets(%dma_start3A_45 : memref<40xi32, #tpu.memory_space<vmem>>) semaphore(%arg14 : memref<!tpu.dma_semaphore, #tpu.memory_space<semaphore_mem>>)
      %dma_start3A_49 = arith.constant 3 : i32
      %dma_start3A_50 = arith.constant 120 : i32
      %dma_start3A_51 = arith.constant 0 : i32
      %dma_start3A_52 = tpu.memref_slice %arg10[%dma_start3A_50, %dma_start3A_51] : memref<200x64xf32, #tpu.memory_space<vmem>> -> memref<40x64xf32, #tpu.memory_space<vmem>>
      %dma_start3A_53 = arith.constant 0 : i32
      %dma_start3A_54 = tpu.memref_slice %arg9[%scan3A_18, %dma_start3A_49, %dma_start3A_53] : memref<128x5x40xi32, #tpu.memory_space<vmem>> -> memref<1x1x40xi32, #tpu.memory_space<vmem>>
      %dma_start3A_55 = tpu.memref_squeeze %dma_start3A_54 : memref<1x1x40xi32, #tpu.memory_space<vmem>> -> memref<40xi32, #tpu.memory_space<vmem>>
      %dma_start3A_56 = arith.constant 0 : i32
      %dma_start3A_57 = arith.constant 0 : i32
      %dma_start3A_58 = tpu.memref_slice %arg5[%dma_start3A_56, %dma_start3A_57] : memref<100000x64xf32, #tpu.memory_space<hbm>> -> memref<100000x64xf32, #tpu.memory_space<hbm>>
      tpu.enqueue_indirect_dma source(%dma_start3A_58 : memref<100000x64xf32, #tpu.memory_space<hbm>>) target(%dma_start3A_52 : memref<40x64xf32, #tpu.memory_space<vmem>>) offsets(%dma_start3A_55 : memref<40xi32, #tpu.memory_space<vmem>>) semaphore(%arg14 : memref<!tpu.dma_semaphore, #tpu.memory_space<semaphore_mem>>)
      %dma_start3A_59 = arith.constant 4 : i32
      %dma_start3A_60 = arith.constant 160 : i32
      %dma_start3A_61 = arith.constant 0 : i32
      %dma_start3A_62 = tpu.memref_slice %arg10[%dma_start3A_60, %dma_start3A_61] : memref<200x64xf32, #tpu.memory_space<vmem>> -> memref<40x64xf32, #tpu.memory_space<vmem>>
      %dma_start3A_63 = arith.constant 0 : i32
      %dma_start3A_64 = tpu.memref_slice %arg9[%scan3A_18, %dma_start3A_59, %dma_start3A_63] : memref<128x5x40xi32, #tpu.memory_space<vmem>> -> memref<1x1x40xi32, #tpu.memory_space<vmem>>
      %dma_start3A_65 = tpu.memref_squeeze %dma_start3A_64 : memref<1x1x40xi32, #tpu.memory_space<vmem>> -> memref<40xi32, #tpu.memory_space<vmem>>
      %dma_start3A_66 = arith.constant 0 : i32
      %dma_start3A_67 = arith.constant 0 : i32
      %dma_start3A_68 = tpu.memref_slice %arg5[%dma_start3A_66, %dma_start3A_67] : memref<100000x64xf32, #tpu.memory_space<hbm>> -> memref<100000x64xf32, #tpu.memory_space<hbm>>
      tpu.enqueue_indirect_dma source(%dma_start3A_68 : memref<100000x64xf32, #tpu.memory_space<hbm>>) target(%dma_start3A_62 : memref<40x64xf32, #tpu.memory_space<vmem>>) offsets(%dma_start3A_65 : memref<40xi32, #tpu.memory_space<vmem>>) semaphore(%arg14 : memref<!tpu.dma_semaphore, #tpu.memory_space<semaphore_mem>>)
      %dma_wait3A_69 = arith.constant 0 : i32
      %dma_wait3A_70 = arith.constant 0 : i32
      %dma_wait3A_71 = arith.constant 0 : i32
      %dma_wait3A_72 = tpu.memref_slice %arg10[%dma_wait3A_70, %dma_wait3A_71] : memref<200x64xf32, #tpu.memory_space<vmem>> -> memref<40x64xf32, #tpu.memory_space<vmem>>
      %dma_wait3A_73 = arith.constant 0 : i32
      %dma_wait3A_74 = tpu.memref_slice %arg9[%scan3A_18, %dma_wait3A_69, %dma_wait3A_73] : memref<128x5x40xi32, #tpu.memory_space<vmem>> -> memref<1x1x40xi32, #tpu.memory_space<vmem>>
      %dma_wait3A_75 = tpu.memref_squeeze %dma_wait3A_74 : memref<1x1x40xi32, #tpu.memory_space<vmem>> -> memref<40xi32, #tpu.memory_space<vmem>>
      %dma_wait3A_76 = arith.constant 0 : i32
      %dma_wait3A_77 = arith.constant 0 : i32
      %dma_wait3A_78 = tpu.memref_slice %arg5[%dma_wait3A_76, %dma_wait3A_77] : memref<100000x64xf32, #tpu.memory_space<hbm>> -> memref<100000x64xf32, #tpu.memory_space<hbm>>
      tpu.wait_indirect_dma semaphore(%arg14 : memref<!tpu.dma_semaphore, #tpu.memory_space<semaphore_mem>>) src(%dma_wait3A_78 : memref<100000x64xf32, #tpu.memory_space<hbm>>) dst(%dma_wait3A_72 : memref<40x64xf32, #tpu.memory_space<vmem>>)
      %dma_wait3A_79 = arith.constant 1 : i32
      %dma_wait3A_80 = arith.constant 40 : i32
      %dma_wait3A_81 = arith.constant 0 : i32
      %dma_wait3A_82 = tpu.memref_slice %arg10[%dma_wait3A_80, %dma_wait3A_81] : memref<200x64xf32, #tpu.memory_space<vmem>> -> memref<40x64xf32, #tpu.memory_space<vmem>>
      %dma_wait3A_83 = arith.constant 0 : i32
      %dma_wait3A_84 = tpu.memref_slice %arg9[%scan3A_18, %dma_wait3A_79, %dma_wait3A_83] : memref<128x5x40xi32, #tpu.memory_space<vmem>> -> memref<1x1x40xi32, #tpu.memory_space<vmem>>
      %dma_wait3A_85 = tpu.memref_squeeze %dma_wait3A_84 : memref<1x1x40xi32, #tpu.memory_space<vmem>> -> memref<40xi32, #tpu.memory_space<vmem>>
      %dma_wait3A_86 = arith.constant 0 : i32
      %dma_wait3A_87 = arith.constant 0 : i32
      %dma_wait3A_88 = tpu.memref_slice %arg5[%dma_wait3A_86, %dma_wait3A_87] : memref<100000x64xf32, #tpu.memory_space<hbm>> -> memref<100000x64xf32, #tpu.memory_space<hbm>>
      tpu.wait_indirect_dma semaphore(%arg14 : memref<!tpu.dma_semaphore, #tpu.memory_space<semaphore_mem>>) src(%dma_wait3A_88 : memref<100000x64xf32, #tpu.memory_space<hbm>>) dst(%dma_wait3A_82 : memref<40x64xf32, #tpu.memory_space<vmem>>)
      %dma_wait3A_89 = arith.constant 2 : i32
      %dma_wait3A_90 = arith.constant 80 : i32
      %dma_wait3A_91 = arith.constant 0 : i32
      %dma_wait3A_92 = tpu.memref_slice %arg10[%dma_wait3A_90, %dma_wait3A_91] : memref<200x64xf32, #tpu.memory_space<vmem>> -> memref<40x64xf32, #tpu.memory_space<vmem>>
      %dma_wait3A_93 = arith.constant 0 : i32
      %dma_wait3A_94 = tpu.memref_slice %arg9[%scan3A_18, %dma_wait3A_89, %dma_wait3A_93] : memref<128x5x40xi32, #tpu.memory_space<vmem>> -> memref<1x1x40xi32, #tpu.memory_space<vmem>>
      %dma_wait3A_95 = tpu.memref_squeeze %dma_wait3A_94 : memref<1x1x40xi32, #tpu.memory_space<vmem>> -> memref<40xi32, #tpu.memory_space<vmem>>
      %dma_wait3A_96 = arith.constant 0 : i32
      %dma_wait3A_97 = arith.constant 0 : i32
      %dma_wait3A_98 = tpu.memref_slice %arg5[%dma_wait3A_96, %dma_wait3A_97] : memref<100000x64xf32, #tpu.memory_space<hbm>> -> memref<100000x64xf32, #tpu.memory_space<hbm>>
      tpu.wait_indirect_dma semaphore(%arg14 : memref<!tpu.dma_semaphore, #tpu.memory_space<semaphore_mem>>) src(%dma_wait3A_98 : memref<100000x64xf32, #tpu.memory_space<hbm>>) dst(%dma_wait3A_92 : memref<40x64xf32, #tpu.memory_space<vmem>>)
      %dma_wait3A_99 = arith.constant 3 : i32
      %dma_wait3A_100 = arith.constant 120 : i32
      %dma_wait3A_101 = arith.constant 0 : i32
      %dma_wait3A_102 = tpu.memref_slice %arg10[%dma_wait3A_100, %dma_wait3A_101] : memref<200x64xf32, #tpu.memory_space<vmem>> -> memref<40x64xf32, #tpu.memory_space<vmem>>
      %dma_wait3A_103 = arith.constant 0 : i32
      %dma_wait3A_104 = tpu.memref_slice %arg9[%scan3A_18, %dma_wait3A_99, %dma_wait3A_103] : memref<128x5x40xi32, #tpu.memory_space<vmem>> -> memref<1x1x40xi32, #tpu.memory_space<vmem>>
      %dma_wait3A_105 = tpu.memref_squeeze %dma_wait3A_104 : memref<1x1x40xi32, #tpu.memory_space<vmem>> -> memref<40xi32, #tpu.memory_space<vmem>>
      %dma_wait3A_106 = arith.constant 0 : i32
      %dma_wait3A_107 = arith.constant 0 : i32
      %dma_wait3A_108 = tpu.memref_slice %arg5[%dma_wait3A_106, %dma_wait3A_107] : memref<100000x64xf32, #tpu.memory_space<hbm>> -> memref<100000x64xf32, #tpu.memory_space<hbm>>
      tpu.wait_indirect_dma semaphore(%arg14 : memref<!tpu.dma_semaphore, #tpu.memory_space<semaphore_mem>>) src(%dma_wait3A_108 : memref<100000x64xf32, #tpu.memory_space<hbm>>) dst(%dma_wait3A_102 : memref<40x64xf32, #tpu.memory_space<vmem>>)
      %dma_wait3A_109 = arith.constant 4 : i32
      %dma_wait3A_110 = arith.constant 160 : i32
      %dma_wait3A_111 = arith.constant 0 : i32
      %dma_wait3A_112 = tpu.memref_slice %arg10[%dma_wait3A_110, %dma_wait3A_111] : memref<200x64xf32, #tpu.memory_space<vmem>> -> memref<40x64xf32, #tpu.memory_space<vmem>>
      %dma_wait3A_113 = arith.constant 0 : i32
      %dma_wait3A_114 = tpu.memref_slice %arg9[%scan3A_18, %dma_wait3A_109, %dma_wait3A_113] : memref<128x5x40xi32, #tpu.memory_space<vmem>> -> memref<1x1x40xi32, #tpu.memory_space<vmem>>
      %dma_wait3A_115 = tpu.memref_squeeze %dma_wait3A_114 : memref<1x1x40xi32, #tpu.memory_space<vmem>> -> memref<40xi32, #tpu.memory_space<vmem>>
      %dma_wait3A_116 = arith.constant 0 : i32
      %dma_wait3A_117 = arith.constant 0 : i32
      %dma_wait3A_118 = tpu.memref_slice %arg5[%dma_wait3A_116, %dma_wait3A_117] : memref<100000x64xf32, #tpu.memory_space<hbm>> -> memref<100000x64xf32, #tpu.memory_space<hbm>>
      tpu.wait_indirect_dma semaphore(%arg14 : memref<!tpu.dma_semaphore, #tpu.memory_space<semaphore_mem>>) src(%dma_wait3A_118 : memref<100000x64xf32, #tpu.memory_space<hbm>>) dst(%dma_wait3A_112 : memref<40x64xf32, #tpu.memory_space<vmem>>)
      %broadcast_in_dim3A = arith.constant 0.000000e+00 : f32
      %broadcast_in_dim3A_119 = vector.broadcast %broadcast_in_dim3A : f32 to vector<16xf32>
      %scan3A_120 = arith.constant 0 : i32
      %scan3A_121 = arith.constant 200 : i32
      %scan3A_122 = arith.addi %scan3A_120, %scan3A_121 : i32
      %scan3A_123 = arith.constant 1 : i32
      %scan3A_124:4 = scf.for %scan3A_145 = %scan3A_120 to %scan3A_122 step %scan3A_123 iter_args(%scan3A_146 = %broadcast_in_dim3A_119, %scan3A_147 = %broadcast_in_dim3A_119, %scan3A_148 = %broadcast_in_dim3A_119, %scan3A_149 = %broadcast_in_dim3A_119) -> (vector<16xf32>, vector<16xf32>, vector<16xf32>, vector<16xf32>)  : i32 {
        %get3A = arith.index_cast %scan3A_145 : i32 to index
        %get3A_150 = arith.constant 0 : index
        %get3A_151 = tpu.vector_load %arg10[%get3A, %get3A_150] {strides = array<i32>} : memref<200x64xf32, #tpu.memory_space<vmem>>, vector<1x16xf32>,
        %get3A_152 = vector.shape_cast %get3A_151 : vector<1x16xf32> to vector<16xf32>
        %add3A_153 = arith.addf %scan3A_146, %get3A_152 : vector<16xf32>
        %get3A_154 = arith.index_cast %scan3A_145 : i32 to index
        %get3A_155 = arith.constant 16 : index
        %get3A_156 = tpu.vector_load %arg10[%get3A_154, %get3A_155] {strides = array<i32>} : memref<200x64xf32, #tpu.memory_space<vmem>>, vector<1x16xf32>,
        %get3A_157 = vector.shape_cast %get3A_156 : vector<1x16xf32> to vector<16xf32>
        %add3A_158 = arith.addf %scan3A_147, %get3A_157 : vector<16xf32>
        %get3A_159 = arith.index_cast %scan3A_145 : i32 to index
        %get3A_160 = arith.constant 32 : index
        %get3A_161 = tpu.vector_load %arg10[%get3A_159, %get3A_160] {strides = array<i32>} : memref<200x64xf32, #tpu.memory_space<vmem>>, vector<1x16xf32>,
        %get3A_162 = vector.shape_cast %get3A_161 : vector<1x16xf32> to vector<16xf32>
        %add3A_163 = arith.addf %scan3A_148, %get3A_162 : vector<16xf32>
        %get3A_164 = arith.index_cast %scan3A_145 : i32 to index
        %get3A_165 = arith.constant 48 : index
        %get3A_166 = tpu.vector_load %arg10[%get3A_164, %get3A_165] {strides = array<i32>} : memref<200x64xf32, #tpu.memory_space<vmem>>, vector<1x16xf32>,
        %get3A_167 = vector.shape_cast %get3A_166 : vector<1x16xf32> to vector<16xf32>
        %add3A_168 = arith.addf %scan3A_149, %get3A_167 : vector<16xf32>
        scf.yield %add3A_153, %add3A_158, %add3A_163, %add3A_168 : vector<16xf32>, vector<16xf32>, vector<16xf32>, vector<16xf32>
      }
      %scan3A_125 = arith.constant 200 : i32
      %swap3A = arith.index_cast %scan3A_18 : i32 to index
      %swap3A_126 = arith.constant 0 : index
      %swap3A_127 = tpu.vector_load %arg11[%swap3A, %swap3A_126] {strides = array<i32>} : memref<128x64xf32, #tpu.memory_space<vmem>>, vector<1x16xf32>,
      %swap3A_128 = vector.shape_cast %swap3A_127 : vector<1x16xf32> to vector<16xf32>
      %swap3A_129 = vector.shape_cast %scan3A_124#0 : vector<16xf32> to vector<1x16xf32>
      tpu.vector_store %arg11[%swap3A, %swap3A_126], %swap3A_129 {strides = array<i32>} : memref<128x64xf32, #tpu.memory_space<vmem>>, vector<1x16xf32>,
      %swap3A_130 = arith.index_cast %scan3A_18 : i32 to index
      %swap3A_131 = arith.constant 16 : index
      %swap3A_132 = tpu.vector_load %arg11[%swap3A_130, %swap3A_131] {strides = array<i32>} : memref<128x64xf32, #tpu.memory_space<vmem>>, vector<1x16xf32>,
      %swap3A_133 = vector.shape_cast %swap3A_132 : vector<1x16xf32> to vector<16xf32>
      %swap3A_134 = vector.shape_cast %scan3A_124#1 : vector<16xf32> to vector<1x16xf32>
      tpu.vector_store %arg11[%swap3A_130, %swap3A_131], %swap3A_134 {strides = array<i32>} : memref<128x64xf32, #tpu.memory_space<vmem>>, vector<1x16xf32>,
      %swap3A_135 = arith.index_cast %scan3A_18 : i32 to index
      %swap3A_136 = arith.constant 32 : index
      %swap3A_137 = tpu.vector_load %arg11[%swap3A_135, %swap3A_136] {strides = array<i32>} : memref<128x64xf32, #tpu.memory_space<vmem>>, vector<1x16xf32>,
      %swap3A_138 = vector.shape_cast %swap3A_137 : vector<1x16xf32> to vector<16xf32>
      %swap3A_139 = vector.shape_cast %scan3A_124#2 : vector<16xf32> to vector<1x16xf32>
      tpu.vector_store %arg11[%swap3A_135, %swap3A_136], %swap3A_139 {strides = array<i32>} : memref<128x64xf32, #tpu.memory_space<vmem>>, vector<1x16xf32>,
      %swap3A_140 = arith.index_cast %scan3A_18 : i32 to index
      %swap3A_141 = arith.constant 48 : index
      %swap3A_142 = tpu.vector_load %arg11[%swap3A_140, %swap3A_141] {strides = array<i32>} : memref<128x64xf32, #tpu.memory_space<vmem>>, vector<1x16xf32>,
      %swap3A_143 = vector.shape_cast %swap3A_142 : vector<1x16xf32> to vector<16xf32>
      %swap3A_144 = vector.shape_cast %scan3A_124#3 : vector<16xf32> to vector<1x16xf32>
      tpu.vector_store %arg11[%swap3A_140, %swap3A_141], %swap3A_144 {strides = array<i32>} : memref<128x64xf32, #tpu.memory_space<vmem>>, vector<1x16xf32>,
    }
    %scan3A_7 = arith.constant 128 : i32
    "tpu.region"() ({
      %run_scoped3A = tpu.sem_alloc : memref<!tpu.dma_semaphore, #tpu.memory_space<semaphore_mem>>
      %dma_start3A_18 = arith.constant 0 : i32
      %dma_start3A_19 = tpu.memref_slice %arg6[%mul3A_2, %dma_start3A_18] : memref<4096x64xf32, #tpu.memory_space<hbm>> -> memref<128x64xf32, #tpu.memory_space<hbm>>
      %dma_start3A_20 = arith.constant 0 : i32
      %dma_start3A_21 = tpu.memref_slice %arg6[%mul3A_2, %dma_start3A_20] : memref<4096x64xf32, #tpu.memory_space<hbm>> -> memref<128x64xf32, #tpu.memory_space<hbm>>
      tpu.enqueue_dma source(%arg11 : memref<128x64xf32, #tpu.memory_space<vmem>>) target(%dma_start3A_21 : memref<128x64xf32, #tpu.memory_space<hbm>>) target_semaphore(%run_scoped3A : memref<!tpu.dma_semaphore, #tpu.memory_space<semaphore_mem>>)
      %dma_wait3A_22 = arith.constant 0 : i32
      %dma_wait3A_23 = tpu.memref_slice %arg6[%mul3A_2, %dma_wait3A_22] : memref<4096x64xf32, #tpu.memory_space<hbm>> -> memref<128x64xf32, #tpu.memory_space<hbm>>
      %dma_wait3A_24 = arith.constant 0 : i32
      %dma_wait3A_25 = tpu.memref_slice %arg6[%mul3A_2, %dma_wait3A_24] : memref<4096x64xf32, #tpu.memory_space<hbm>> -> memref<128x64xf32, #tpu.memory_space<hbm>>
      tpu.wait_dma2 semaphore(%run_scoped3A : memref<!tpu.dma_semaphore, #tpu.memory_space<semaphore_mem>>) src(%arg11 : memref<128x64xf32, #tpu.memory_space<vmem>>) dst(%dma_wait3A_25 : memref<128x64xf32, #tpu.memory_space<hbm>>)
      tpu.yield
    }) : () -> ()
    "tpu.region"() ({
      %run_scoped3A = tpu.sem_alloc : memref<!tpu.dma_semaphore, #tpu.memory_space<semaphore_mem>>
      %dma_start3A_18 = tpu.memref_slice %arg3[%mul3A_2] : memref<4096xi32, #tpu.memory_space<hbm>> -> memref<128xi32, #tpu.memory_space<hbm>>
      %dma_start3A_19 = tpu.memref_slice %arg3[%mul3A_2] : memref<4096xi32, #tpu.memory_space<hbm>> -> memref<128xi32, #tpu.memory_space<hbm>>
      tpu.enqueue_dma source(%dma_start3A_19 : memref<128xi32, #tpu.memory_space<hbm>>) target(%arg12 : memref<128xi32, #tpu.memory_space<vmem>>) target_semaphore(%run_scoped3A : memref<!tpu.dma_semaphore, #tpu.memory_space<semaphore_mem>>)
      %dma_wait3A_20 = tpu.memref_slice %arg3[%mul3A_2] : memref<4096xi32, #tpu.memory_space<hbm>> -> memref<128xi32, #tpu.memory_space<hbm>>
      %dma_wait3A_21 = tpu.memref_slice %arg3[%mul3A_2] : memref<4096xi32, #tpu.memory_space<hbm>> -> memref<128xi32, #tpu.memory_space<hbm>>
      tpu.wait_dma2 semaphore(%run_scoped3A : memref<!tpu.dma_semaphore, #tpu.memory_space<semaphore_mem>>) src(%dma_wait3A_21 : memref<128xi32, #tpu.memory_space<hbm>>) dst(%arg12 : memref<128xi32, #tpu.memory_space<vmem>>)
      tpu.yield
    }) : () -> ()
    %dma_start3A = arith.constant 0 : i32
    %dma_start3A_8 = arith.constant 0 : i32
    %dma_start3A_9 = tpu.memref_slice %arg5[%dma_start3A, %dma_start3A_8] : memref<100000x64xf32, #tpu.memory_space<hbm>> -> memref<100000x64xf32, #tpu.memory_space<hbm>>
    tpu.enqueue_indirect_dma source(%dma_start3A_9 : memref<100000x64xf32, #tpu.memory_space<hbm>>) target(%arg13 : memref<128x64xf32, #tpu.memory_space<vmem>>) offsets(%arg12 : memref<128xi32, #tpu.memory_space<vmem>>) semaphore(%arg14 : memref<!tpu.dma_semaphore, #tpu.memory_space<semaphore_mem>>)
    %dma_wait3A = arith.constant 0 : i32
    %dma_wait3A_10 = arith.constant 0 : i32
    %dma_wait3A_11 = tpu.memref_slice %arg5[%dma_wait3A, %dma_wait3A_10] : memref<100000x64xf32, #tpu.memory_space<hbm>> -> memref<100000x64xf32, #tpu.memory_space<hbm>>
    tpu.wait_indirect_dma semaphore(%arg14 : memref<!tpu.dma_semaphore, #tpu.memory_space<semaphore_mem>>) src(%dma_wait3A_11 : memref<100000x64xf32, #tpu.memory_space<hbm>>) dst(%arg13 : memref<128x64xf32, #tpu.memory_space<vmem>>)
    "tpu.region"() ({
      %run_scoped3A = tpu.sem_alloc : memref<!tpu.dma_semaphore, #tpu.memory_space<semaphore_mem>>
      %dma_start3A_18 = arith.constant 0 : i32
      %dma_start3A_19 = tpu.memref_slice %arg7[%mul3A_2, %dma_start3A_18] : memref<4096x64xf32, #tpu.memory_space<hbm>> -> memref<128x64xf32, #tpu.memory_space<hbm>>
      %dma_start3A_20 = arith.constant 0 : i32
      %dma_start3A_21 = tpu.memref_slice %arg7[%mul3A_2, %dma_start3A_20] : memref<4096x64xf32, #tpu.memory_space<hbm>> -> memref<128x64xf32, #tpu.memory_space<hbm>>
      tpu.enqueue_dma source(%arg13 : memref<128x64xf32, #tpu.memory_space<vmem>>) target(%dma_start3A_21 : memref<128x64xf32, #tpu.memory_space<hbm>>) target_semaphore(%run_scoped3A : memref<!tpu.dma_semaphore, #tpu.memory_space<semaphore_mem>>)
      %dma_wait3A_22 = arith.constant 0 : i32
      %dma_wait3A_23 = tpu.memref_slice %arg7[%mul3A_2, %dma_wait3A_22] : memref<4096x64xf32, #tpu.memory_space<hbm>> -> memref<128x64xf32, #tpu.memory_space<hbm>>
      %dma_wait3A_24 = arith.constant 0 : i32
      %dma_wait3A_25 = tpu.memref_slice %arg7[%mul3A_2, %dma_wait3A_24] : memref<4096x64xf32, #tpu.memory_space<hbm>> -> memref<128x64xf32, #tpu.memory_space<hbm>>
      tpu.wait_dma2 semaphore(%run_scoped3A : memref<!tpu.dma_semaphore, #tpu.memory_space<semaphore_mem>>) src(%arg13 : memref<128x64xf32, #tpu.memory_space<vmem>>) dst(%dma_wait3A_25 : memref<128x64xf32, #tpu.memory_space<hbm>>)
      tpu.yield
    }) : () -> ()
    "tpu.region"() ({
      %run_scoped3A = tpu.sem_alloc : memref<!tpu.dma_semaphore, #tpu.memory_space<semaphore_mem>>
      %dma_start3A_18 = tpu.memref_slice %arg4[%mul3A_2] : memref<4096xi32, #tpu.memory_space<hbm>> -> memref<128xi32, #tpu.memory_space<hbm>>
      %dma_start3A_19 = tpu.memref_slice %arg4[%mul3A_2] : memref<4096xi32, #tpu.memory_space<hbm>> -> memref<128xi32, #tpu.memory_space<hbm>>
      tpu.enqueue_dma source(%dma_start3A_19 : memref<128xi32, #tpu.memory_space<hbm>>) target(%arg12 : memref<128xi32, #tpu.memory_space<vmem>>) target_semaphore(%run_scoped3A : memref<!tpu.dma_semaphore, #tpu.memory_space<semaphore_mem>>)
      %dma_wait3A_20 = tpu.memref_slice %arg4[%mul3A_2] : memref<4096xi32, #tpu.memory_space<hbm>> -> memref<128xi32, #tpu.memory_space<hbm>>
      %dma_wait3A_21 = tpu.memref_slice %arg4[%mul3A_2] : memref<4096xi32, #tpu.memory_space<hbm>> -> memref<128xi32, #tpu.memory_space<hbm>>
      tpu.wait_dma2 semaphore(%run_scoped3A : memref<!tpu.dma_semaphore, #tpu.memory_space<semaphore_mem>>) src(%dma_wait3A_21 : memref<128xi32, #tpu.memory_space<hbm>>) dst(%arg12 : memref<128xi32, #tpu.memory_space<vmem>>)
      tpu.yield
    }) : () -> ()
    %dma_start3A_12 = arith.constant 0 : i32
    %dma_start3A_13 = arith.constant 0 : i32
    %dma_start3A_14 = tpu.memref_slice %arg5[%dma_start3A_12, %dma_start3A_13] : memref<100000x64xf32, #tpu.memory_space<hbm>> -> memref<100000x64xf32, #tpu.memory_space<hbm>>
    tpu.enqueue_indirect_dma source(%dma_start3A_14 : memref<100000x64xf32, #tpu.memory_space<hbm>>) target(%arg13 : memref<128x64xf32, #tpu.memory_space<vmem>>) offsets(%arg12 : memref<128xi32, #tpu.memory_space<vmem>>) semaphore(%arg14 : memref<!tpu.dma_semaphore, #tpu.memory_space<semaphore_mem>>)
    %dma_wait3A_15 = arith.constant 0 : i32
    %dma_wait3A_16 = arith.constant 0 : i32
    %dma_wait3A_17 = tpu.memref_slice %arg5[%dma_wait3A_15, %dma_wait3A_16] : memref<100000x64xf32, #tpu.memory_space<hbm>> -> memref<100000x64xf32, #tpu.memory_space<hbm>>
    tpu.wait_indirect_dma semaphore(%arg14 : memref<!tpu.dma_semaphore, #tpu.memory_space<semaphore_mem>>) src(%dma_wait3A_17 : memref<100000x64xf32, #tpu.memory_space<hbm>>) dst(%arg13 : memref<128x64xf32, #tpu.memory_space<vmem>>)
    "tpu.region"() ({
      %run_scoped3A = tpu.sem_alloc : memref<!tpu.dma_semaphore, #tpu.memory_space<semaphore_mem>>
      %dma_start3A_18 = arith.constant 0 : i32
      %dma_start3A_19 = tpu.memref_slice %arg8[%mul3A_2, %dma_start3A_18] : memref<4096x64xf32, #tpu.memory_space<hbm>> -> memref<128x64xf32, #tpu.memory_space<hbm>>
      %dma_start3A_20 = arith.constant 0 : i32
      %dma_start3A_21 = tpu.memref_slice %arg8[%mul3A_2, %dma_start3A_20] : memref<4096x64xf32, #tpu.memory_space<hbm>> -> memref<128x64xf32, #tpu.memory_space<hbm>>
      tpu.enqueue_dma source(%arg13 : memref<128x64xf32, #tpu.memory_space<vmem>>) target(%dma_start3A_21 : memref<128x64xf32, #tpu.memory_space<hbm>>) target_semaphore(%run_scoped3A : memref<!tpu.dma_semaphore, #tpu.memory_space<semaphore_mem>>)
      %dma_wait3A_22 = arith.constant 0 : i32
      %dma_wait3A_23 = tpu.memref_slice %arg8[%mul3A_2, %dma_wait3A_22] : memref<4096x64xf32, #tpu.memory_space<hbm>> -> memref<128x64xf32, #tpu.memory_space<hbm>>
      %dma_wait3A_24 = arith.constant 0 : i32
      %dma_wait3A_25 = tpu.memref_slice %arg8[%mul3A_2, %dma_wait3A_24] : memref<4096x64xf32, #tpu.memory_space<hbm>> -> memref<128x64xf32, #tpu.memory_space<hbm>>
      tpu.wait_dma2 semaphore(%run_scoped3A : memref<!tpu.dma_semaphore, #tpu.memory_space<semaphore_mem>>) src(%arg13 : memref<128x64xf32, #tpu.memory_space<vmem>>) dst(%dma_wait3A_25 : memref<128x64xf32, #tpu.memory_space<hbm>>)
      tpu.yield
    }) : () -> ()
    return
  }
}

module attributes {stable_mosaic.version = 14 : i64} {
  func.func @_tc_body(%arg0: memref<4096x64xf32, #tpu.memory_space<vmem>>, %arg1: memref<4096x200xf32, #tpu.memory_space<vmem>>, %arg2: memref<4096x64xf32, #tpu.memory_space<vmem>>, %arg3: memref<4096x64xf32, #tpu.memory_space<vmem>>, %arg4: memref<64x64xf32, #tpu.memory_space<vmem>>, %arg5: memref<1x64xf32, #tpu.memory_space<vmem>>, %arg6: memref<4096x64xf32, #tpu.memory_space<vmem>>, %arg7: memref<1x1xf32, #tpu.memory_space<smem>>, %arg8: memref<1x1xf32, #tpu.memory_space<smem>>, %arg9: memref<1x1xf32, #tpu.memory_space<smem>>) attributes {dimension_semantics = [], scalar_prefetch = 0 : i64, scratch_operands = 0 : i64, tpu.core_type = #tpu.core_type<tc>} {
    %get3A = arith.constant 0 : index
    %get3A_0 = arith.constant 0 : index
    %get3A_1 = vector.load %arg1[%get3A, %get3A_0] : memref<4096x200xf32, #tpu.memory_space<vmem>>, vector<4096x200xf32>
    %reduce_sum3A = arith.constant dense<0.000000e+00> : vector<4096xf32>
    %reduce_sum3A_2 = vector.multi_reduction <add>, %get3A_1, %reduce_sum3A [1] : vector<4096x200xf32> to vector<4096xf32>
    %broadcast_in_dim3A = vector.shape_cast %reduce_sum3A_2 : vector<4096xf32> to vector<4096x1xf32>
    %add3A = arith.constant 9.99999971E-10 : f32
    %add3A_3 = vector.broadcast %add3A : f32 to vector<4096x1xf32>
    %add3A_4 = arith.addf %broadcast_in_dim3A, %add3A_3 : vector<4096x1xf32>
    %get3A_5 = arith.constant 0 : index
    %get3A_6 = arith.constant 0 : index
    %get3A_7 = vector.load %arg0[%get3A_5, %get3A_6] : memref<4096x64xf32, #tpu.memory_space<vmem>>, vector<4096x64xf32>
    %div3A = vector.broadcast %add3A_4 : vector<4096x1xf32> to vector<4096x64xf32>
    %div3A_8 = arith.divf %get3A_7, %div3A : vector<4096x64xf32>
    %get3A_9 = arith.constant 0 : index
    %get3A_10 = arith.constant 0 : index
    %get3A_11 = vector.load %arg4[%get3A_9, %get3A_10] : memref<64x64xf32, #tpu.memory_space<vmem>>, vector<64x64xf32>
    %dot_general3A = arith.constant dense<0.000000e+00> : vector<4096x64xf32>
    %dot_general3A_12 = tpu.matmul %div3A_8, %get3A_11, %dot_general3A {dimension_numbers = #tpu.dot_dimension_numbers<[1], [0], [0], [1], [0, 0, 1, 1], [], []>, transpose_lhs_hint = false} : vector<4096x64xf32>, vector<64x64xf32>, vector<4096x64xf32> -> vector<4096x64xf32>
    %get3A_13 = arith.constant 0 : index
    %get3A_14 = arith.constant 0 : index
    %get3A_15 = vector.load %arg5[%get3A_13, %get3A_14] : memref<1x64xf32, #tpu.memory_space<vmem>>, vector<1x64xf32>
    %add3A_16 = vector.broadcast %get3A_15 : vector<1x64xf32> to vector<4096x64xf32>
    %add3A_17 = arith.addf %dot_general3A_12, %add3A_16 : vector<4096x64xf32>
    %swap3A = arith.constant 0 : index
    %swap3A_18 = arith.constant 0 : index
    %swap3A_19 = vector.load %arg6[%swap3A, %swap3A_18] : memref<4096x64xf32, #tpu.memory_space<vmem>>, vector<4096x64xf32>
    tpu.vector_store %arg6[%swap3A, %swap3A_18], %add3A_17 {strides = array<i32>} : memref<4096x64xf32, #tpu.memory_space<vmem>>, vector<4096x64xf32>,
    %get3A_20 = arith.constant 0 : index
    %get3A_21 = arith.constant 0 : index
    %get3A_22 = vector.load %arg2[%get3A_20, %get3A_21] : memref<4096x64xf32, #tpu.memory_space<vmem>>, vector<4096x64xf32>
    %get3A_23 = arith.constant 0 : index
    %get3A_24 = arith.constant 0 : index
    %get3A_25 = vector.load %arg3[%get3A_23, %get3A_24] : memref<4096x64xf32, #tpu.memory_space<vmem>>, vector<4096x64xf32>
    %sub3A = arith.subf %get3A_25, %get3A_22 : vector<4096x64xf32>
    %mul3A = arith.mulf %add3A_17, %sub3A : vector<4096x64xf32>
    %reduce_sum3A_26 = arith.constant dense<0.000000e+00> : vector<4096xf32>
    %reduce_sum3A_27 = vector.multi_reduction <add>, %mul3A, %reduce_sum3A_26 [1] : vector<4096x64xf32> to vector<4096xf32>
    %broadcast_in_dim3A_28 = vector.shape_cast %reduce_sum3A_27 : vector<4096xf32> to vector<4096x1xf32>
    %max3A = arith.constant 0.000000e+00 : f32
    %max3A_29 = vector.broadcast %max3A : f32 to vector<4096x1xf32>
    %max3A_30 = arith.maximumf %broadcast_in_dim3A_28, %max3A_29 : vector<4096x1xf32>
    %abs3A = math.absf %broadcast_in_dim3A_28 : vector<4096x1xf32>
    %neg3A = arith.constant 0.000000e+00 : f32
    %neg3A_31 = vector.broadcast %neg3A : f32 to vector<4096x1xf32>
    %neg3A_32 = arith.subf %neg3A_31, %abs3A : vector<4096x1xf32>
    %exp3A = math.exp %neg3A_32 : vector<4096x1xf32>
    %log1p3A = math.log1p %exp3A : vector<4096x1xf32>
    %add3A_33 = arith.addf %max3A_30, %log1p3A : vector<4096x1xf32>
    %reduce_sum3A_34 = vector.shape_cast %add3A_33 : vector<4096x1xf32> to vector<1x4096x1xf32>
    %reduce_sum3A_35 = arith.constant dense<0.000000e+00> : vector<1xf32>
    %reduce_sum3A_36 = vector.multi_reduction <add>, %reduce_sum3A_34, %reduce_sum3A_35 [1, 2] : vector<1x4096x1xf32> to vector<1xf32>
    %reduce_sum3A_37 = vector.shape_cast %reduce_sum3A_36 : vector<1xf32> to vector<1x1x1xf32>
    %reduce_sum3A_38 = vector.extract %reduce_sum3A_37[0, 0, 0] : f32 from vector<1x1x1xf32>
    %div3A_39 = arith.constant 4.096000e+03 : f32
    %div3A_40 = arith.divf %reduce_sum3A_38, %div3A_39 : f32
    %mul3A_41 = arith.mulf %add3A_17, %add3A_17 : vector<4096x64xf32>
    %reduce_sum3A_42 = vector.shape_cast %mul3A_41 : vector<4096x64xf32> to vector<1x4096x64xf32>
    %reduce_sum3A_43 = arith.constant dense<0.000000e+00> : vector<1xf32>
    %reduce_sum3A_44 = vector.multi_reduction <add>, %reduce_sum3A_42, %reduce_sum3A_43 [1, 2] : vector<1x4096x64xf32> to vector<1xf32>
    %reduce_sum3A_45 = vector.shape_cast %reduce_sum3A_44 : vector<1xf32> to vector<1x1x1xf32>
    %reduce_sum3A_46 = vector.extract %reduce_sum3A_45[0, 0, 0] : f32 from vector<1x1x1xf32>
    %mul3A_47 = arith.mulf %get3A_22, %get3A_22 : vector<4096x64xf32>
    %reduce_sum3A_48 = vector.shape_cast %mul3A_47 : vector<4096x64xf32> to vector<1x4096x64xf32>
    %reduce_sum3A_49 = arith.constant dense<0.000000e+00> : vector<1xf32>
    %reduce_sum3A_50 = vector.multi_reduction <add>, %reduce_sum3A_48, %reduce_sum3A_49 [1, 2] : vector<1x4096x64xf32> to vector<1xf32>
    %reduce_sum3A_51 = vector.shape_cast %reduce_sum3A_50 : vector<1xf32> to vector<1x1x1xf32>
    %reduce_sum3A_52 = vector.extract %reduce_sum3A_51[0, 0, 0] : f32 from vector<1x1x1xf32>
    %add3A_53 = arith.addf %reduce_sum3A_46, %reduce_sum3A_52 : f32
    %mul3A_54 = arith.mulf %get3A_25, %get3A_25 : vector<4096x64xf32>
    %reduce_sum3A_55 = vector.shape_cast %mul3A_54 : vector<4096x64xf32> to vector<1x4096x64xf32>
    %reduce_sum3A_56 = arith.constant dense<0.000000e+00> : vector<1xf32>
    %reduce_sum3A_57 = vector.multi_reduction <add>, %reduce_sum3A_55, %reduce_sum3A_56 [1, 2] : vector<1x4096x64xf32> to vector<1xf32>
    %reduce_sum3A_58 = vector.shape_cast %reduce_sum3A_57 : vector<1xf32> to vector<1x1x1xf32>
    %reduce_sum3A_59 = vector.extract %reduce_sum3A_58[0, 0, 0] : f32 from vector<1x1x1xf32>
    %add3A_60 = arith.addf %add3A_53, %reduce_sum3A_59 : f32
    %mul3A_61 = arith.constant 5.000000e-01 : f32
    %mul3A_62 = arith.mulf %mul3A_61, %add3A_60 : f32
    %div3A_63 = arith.constant 4.096000e+03 : f32
    %div3A_64 = arith.divf %mul3A_62, %div3A_63 : f32
    %mul3A_65 = arith.constant 9.99999974E-6 : f32
    %mul3A_66 = arith.mulf %mul3A_65, %div3A_64 : f32
    %swap3A_67 = arith.constant 0 : index
    %swap3A_68 = arith.constant 0 : index
    %swap3A_69 = memref.load %arg7[%swap3A_67, %swap3A_68] : memref<1x1xf32, #tpu.memory_space<smem>>
    memref.store %div3A_40, %arg7[%swap3A_67, %swap3A_68] : memref<1x1xf32, #tpu.memory_space<smem>>
    %swap3A_70 = arith.constant 0 : index
    %swap3A_71 = arith.constant 0 : index
    %swap3A_72 = memref.load %arg8[%swap3A_70, %swap3A_71] : memref<1x1xf32, #tpu.memory_space<smem>>
    memref.store %mul3A_66, %arg8[%swap3A_70, %swap3A_71] : memref<1x1xf32, #tpu.memory_space<smem>>
    %add3A_73 = arith.addf %div3A_40, %mul3A_66 : f32
    %swap3A_74 = arith.constant 0 : index
    %swap3A_75 = arith.constant 0 : index
    %swap3A_76 = memref.load %arg9[%swap3A_74, %swap3A_75] : memref<1x1xf32, #tpu.memory_space<smem>>
    memref.store %add3A_73, %arg9[%swap3A_74, %swap3A_75] : memref<1x1xf32, #tpu.memory_space<smem>>
    return
  }
}

</mosaic_0001>

<sc_bundles>
// kernel: kernel.4.cloned.1.call-start
scs
__scs_entry_jumppad:
0x0: {  	(pc) =	sbr.rel $0x88, $3  }
0x1: {  	(tag) =	ssettag $0x0;
	lr =	simm.s32 $0x1  }
0x2: {  	[smem:$0x3F9A] =	sst lr;
	_ =	strace $0xD0000000  }
0x3: {  	_ = 	snop  }
0x4: {  	_ = 	snop  }
0x5: {  	_ = 	snop  }
0x6: {  	_ = 	snop  }
0x7: {  	_ = 	snop  }
__scs_overlays_trampoline_lowered:
0x8: {  	[smem:$0x3FA9] =	sst s0  }
0x9: {  	[smem:$0x3FAA] =	sst s1  }
0xa: {  	[smem:$0x3FAB] =	sst s2  }
0xb: {  	[smem:$0x3FAC] =	sst s3  }
0xc: {  	[smem:$0x3FAD] =	sst s4  }
0xd: {  	[smem:$0x3FAE] =	sst s5  }
0xe: {  	[smem:$0x3FAF] =	sst s6  }
0xf: {  	[smem:$0x3FB0] =	sst s7  }
0x10: {  	[smem:$0x3FB1] =	sst s8  }
0x11: {  	[smem:$0x3FB2] =	sst s9;
	s0 =	simm.s32 @!p0 $0x0  }
0x12: {  	s1 =	sld [smem:$0x3F98];
	s0 =	simm.s32 @p0 $0x1  }
0x13: {  	[smem:$0x3FB3] =	sst s0;
	s0 =	simm.s32 @!p1 $0x0  }
0x14: {  	s2 =	sld [smem:$0x3F97];
	s0 =	simm.s32 @p1 $0x1  }
0x15: {  	[smem:$0x3FB4] =	sst s0;
	s0 =	simm.s32 @!p2 $0x0  }
0x16: {  	s3 =	sld [smem:$0x3FDB];
	s0 =	simm.s32 @p2 $0x1  }
0x17: {  	s4 =	simm.s32 $0x1BF5;
	[smem:$0x3FB6] =	sst s0  }
0x18: {  	s0 =	sld [smem:$0x3F99];
	_ =	swait.ge [sflag:s4], $0x0  }
0x19: {  	s7 =	sld [smem:$0x3F9A]  }
0x1a: {  	s8 =	sadd.s32 $0xFFFFE003, lr  }
0x1b: {  	s9 =	sadd.s32 $0xFFFFFEF7, lr;
	s5 =	simm.s32 $0xFFFFFFFF;
	p2 =	slt.u32 s8, $0xFFFFF086  }
0x1c: {  	p1 =	slt.u32 s9, $0xF7A;
	s5 =	simm.s32 @!p2 $0x0  }
0x1d: {  	s5 =	simm.s32 @p1 $0x1;
	p0 =	seq.s32 s7, s2  }
0x1e: {  	s7 =	smul.u32 @!p0 $0xF7A, s2;
	p2 =	seq.s32 @!p0 s5, $0x0  }
0x1f: {  	s9 =	smul.u32 $0xF7A, s1;
	s8 =	simm.s32 @!p0 $0x1BF5;
	p2 =	por !p2, p0  }
0x20: {  	[sflag:s8] =	ssyncset.s32 @!p0 $0xFFFFF086;
	s6 =	sadd.s32 @!p0 s3, s7;
	s7 =	simm.s32 @!p0 $0x108  }
0x21: {  	s3 =	sadd.s32 s3, s9;
	s6 =	sadd.s32 @!p0 $0x88, s6;
	s7 =	simm.s32 @p2 $0x1082  }
0x22: {  	[simem:s7], [sflag:s8] =	dma.local @!p0 [hbm:s6], $0xF7A  }
0x23: {  	s9 =	sor.u32 $0xD0000000, s2;
	s6 =	simm.s32 $0x108;
	_ =	swait.ge @!p0 [sflag:s8], $0x0  }
0x24: {  	s3 =	sadd.s32 $0x88, s3;
	s6 =	simm.s32 @!p1 $0x1082;
	[sflag:s4] =	ssyncset.s32 $0xFFFFF086  }
0x25: {  	[simem:s6], [sflag:s4] =	dma.local [hbm:s3], $0xF7A  }
0x26: {  	[smem:$0x3F9A] =	sst s1;
	(tag) =	ssettag s2;
	_ =	strace s9  }
0x27: {  	s1 =	sld [smem:$0x3FAA]  }
0x28: {  	s2 =	sld [smem:$0x3FAB]  }
0x29: {  	s4 =	sld [smem:$0x3FAD]  }
0x2a: {  	p0 =	seq.s32 s5, $0x0;
	s5 =	sld [smem:$0x3FAE]  }
0x2b: {  	s6 =	sld [smem:$0x3FAF]  }
0x2c: {  	s7 =	sld [smem:$0x3FB0]  }
0x2d: {  	s3 =	simm.s32 $0x108;
	s8 =	sld [smem:$0x3FB1]  }
0x2e: {  	s3 =	simm.s32 @!p0 $0x1082;
	s9 =	sld [smem:$0x3FB2]  }
0x2f: {  	lr =	sadd.s32 s0, s3;
	s0 =	sld [smem:$0x3FA9]  }
0x30: {  	s3 =	sld [smem:$0x3FAC]  }
0x31: {  	[smem:$0x3FB5] =	sst s10  }
0x32: {  	s10 =	sld [smem:$0x3FB3];
	_ =	sdelay $0x3  }
0x33: {  	p0 =	seq.s32 s10, $0x1;
	s10 =	sld [smem:$0x3FB5];
	_ =	sdelay $0x3  }
0x34: {  	[smem:$0x3FB5] =	sst s10  }
0x35: {  	s10 =	sld [smem:$0x3FB4];
	_ =	sdelay $0x3  }
0x36: {  	p1 =	seq.s32 s10, $0x1;
	s10 =	sld [smem:$0x3FB5];
	_ =	sdelay $0x3  }
0x37: {  	[smem:$0x3FB5] =	sst s10  }
0x38: {  	s10 =	sld [smem:$0x3FB6]  }
0x39: {  	_ = 	snop;
	(pc) =	sbr.ind lr, $3  }
0x3a: {  	_ = 	snop  }
0x3b: {  	_ = 	snop  }
0x3c: {  	p2 =	seq.s32 s10, $0x1;
	s10 =	sld [smem:$0x3FB5]  }
0x3d: {  	_ =	shalt  }
0x3e: {  	_ =	shalt  }
0x3f: {  	_ =	shalt  }
0x40: {  	_ =	shalt  }
0x41: {  	_ =	shalt  }
0x42: {  	_ =	shalt  }
0x43: {  	_ =	shalt  }
0x44: {  	_ =	shalt  }
0x45: {  	_ =	shalt  }
0x46: {  	_ =	shalt  }
0x47: {  	_ =	shalt  }
0x48: {  	_ =	shalt  }
0x49: {  	_ =	shalt  }
0x4a: {  	_ =	shalt  }
0x4b: {  	_ =	shalt  }
0x4c: {  	_ =	shalt  }
0x4d: {  	_ =	shalt  }
0x4e: {  	_ =	shalt  }
0x4f: {  	_ =	shalt  }
0x50: {  	_ =	shalt  }
0x51: {  	_ =	shalt  }
0x52: {  	_ =	shalt  }
0x53: {  	_ =	shalt  }
0x54: {  	_ =	shalt  }
0x55: {  	_ =	shalt  }
0x56: {  	_ =	shalt  }
0x57: {  	_ =	shalt  }
0x58: {  	_ =	shalt  }
0x59: {  	_ =	shalt  }
0x5a: {  	_ =	shalt  }
0x5b: {  	_ =	shalt  }
0x5c: {  	_ =	shalt  }
0x5d: {  	_ =	shalt  }
0x5e: {  	_ =	shalt  }
0x5f: {  	_ =	shalt  }
0x60: {  	_ =	shalt  }
0x61: {  	_ =	shalt  }
0x62: {  	_ =	shalt  }
0x63: {  	_ =	shalt  }
0x64: {  	_ =	shalt  }
0x65: {  	_ =	shalt  }
0x66: {  	_ =	shalt  }
0x67: {  	_ =	shalt  }
0x68: {  	_ =	shalt  }
0x69: {  	_ =	shalt  }
0x6a: {  	_ =	shalt  }
0x6b: {  	_ =	shalt  }
0x6c: {  	_ =	shalt  }
0x6d: {  	_ =	shalt  }
0x6e: {  	_ =	shalt  }
0x6f: {  	_ =	shalt  }
0x70: {  	_ =	shalt  }
0x71: {  	_ =	shalt  }
0x72: {  	_ =	shalt  }
0x73: {  	_ =	shalt  }
0x74: {  	_ =	shalt  }
0x75: {  	_ =	shalt  }
0x76: {  	_ =	shalt  }
0x77: {  	_ =	shalt  }
0x78: {  	_ =	shalt  }
0x79: {  	_ =	shalt  }
0x7a: {  	_ =	shalt  }
0x7b: {  	_ =	shalt  }
0x7c: {  	_ =	shalt  }
0x7d: {  	_ =	shalt  }
0x7e: {  	_ =	shalt  }
0x7f: {  	_ =	shalt  }
0x80: {  	_ =	shalt  }
0x81: {  	_ =	shalt  }
0x82: {  	_ =	shalt  }
0x83: {  	_ =	shalt  }
0x84: {  	_ =	shalt  }
0x85: {  	_ =	shalt  }
0x86: {  	_ =	shalt  }
0x87: {  	_ =	shalt  }
.Lfunc_end0:
.L_simem_size_0:
called_computation_lowered:
.L_overlay_start_0:
0x88: {  	s2 =	sld [smem:$0x3FD9]  }
0x89: {  	s3 =	sld [smem:$0x3FFE];
	_ =	sdelay $0x1  }
0x8a: {  	s1 =	srdreg.scid  }
0x8b: {  	s0 =	sand.u32 $0x1, s1  }
0x8c: {  	s14 =	sshll.u32 s0, $0xA;
	s2 =	sadd.s32 s3, s2  }
0x8d: {  	s2 =	sadd.s32 s2, s14  }
0x8e: {  	[smem:$0x3FC1] =	sst s2  }
0x8f: {  	_ = 	snop  }
0x90: {  	s2 =	sld [smem:$0x3FD0];
	_ =	sdelay $0x1  }
0x91: {  	s15 =	sld [smem:$0x3FC9]  }
0x92: {  	s5 =	simm.s32 $0xA;
	s6 =	simm.s32 $0x10;
	s4 =	sld [smem:$0x3FC8]  }
0x93: {  	[smem:s6], [sflag:s5] =	dma.local [hbm:s2], $0x1  }
0x94: {  	_ =	swait.eq [sflag:s5], $0x1  }
0x95: {  	[sflag:s5] =	ssyncset.done $0x0  }
0x96: {  	[sflag:s5] =	ssyncadd.s32 $0xFFFFFFFF  }
0x97: {  	s16 =	sld [smem:$0x10];
	(tm) =	ssettm $0x1  }
0x98: {  	s17 =	sld [smem:$0x3FFB];
	_ =	sdelay $0x3  }
0x99: {  	_ =	strace s17  }
0x9a: {  	s5 =	sld [smem:$0x3FFC];
	_ =	sdelay $0x3  }
0x9b: {  	_ =	strace s5  }
0x9c: {  	s5 =	sld [smem:$0x3FFD];
	_ =	sdelay $0x3  }
0x9d: {  	_ =	strace s5  }
0x9e: {  	_ =	strace $0x8FFFFFFF  }
0x9f: {  	s18 =	sld [smem:$0x3FDB];
	_ =	sdelay $0x1  }
0xa0: {  	s19 =	simm.s32 $_scs_section_size  }
0xa1: {  	s7 =	simm.s32 $_size__tile_overlayer_lowered;
	s8 =	simm.s32 $_tile_overlayer_lowered  }
0xa2: {  	s22 =	simm.s32 $0x1BFF;
	s21 =	sshll.u32 s8, $0x1;
	s5 =	sadd.s32 s19, s18  }
0xa3: {  	s9 =	simm.s32 $0x0;
	s20 =	sshll.u32 s7, $0x1;
	s7 =	sadd.s32 s21, s5  }
0xa4: {  	[timem:s9], [sflag:s22] =	dma.local [hbm:s7], s20  }
0xa5: {  	_ =	swait.ge [sflag:s22], s20  }
0xa6: {  	s6 =	ssub.s32 $0x0, s20;
	[sflag:s22] =	ssyncset.done $0x0  }
0xa7: {  	[sflag:s22] =	ssyncadd.s32 s6;
	_ =	sdelay $0x1  }
0xa8: {  	s23 =	simm.s32 $0x1B8B  }
0xa9: {  	_ =	swait.ge [sflag:s23], $0x1  }
0xaa: {  	[sflag:s23] =	ssyncset.done $0x0  }
0xab: {  	s25 =	simm.s32 $0x1B8E;
	s24 =	sld [smem:$0x3FFE];
	[sflag:s23] =	ssyncadd.s32 $0xFFFFFFFF  }
0xac: {  	s26 =	simm.s32 $execute0_lowered;
	[smem:$0x3FD2] =	sst s25  }
0xad: {  	s7 =	sshll.u32 s26, $0x1;
	_ =	strace $0x80000046;
	[dreg:$0x1] =	wrdreg $0xFFFFFFFF  }
0xae: {  	s28 =	simm.s32 $_size_execute0_lowered;
	s5 =	sadd.s32 s5, s7;
	[dreg:$0x0] =	wrdreg $0x0  }
0xaf: {  	s7 =	sshll.u32 s28, $0x1;
	[dreg:$0x2] =	wrdreg s5  }
0xb0: {  	[dreg:$0x3] =	wrdreg s7  }
0xb1: {  	[dreg:$0x4] =	wrdreg $0xC0  }
0xb2: {  	_ =	task [dreg:s9], $0x5FFFF  }
0xb3: {  	[dreg:$0x1] =	wrdreg $0xFFFFFFFF  }
0xb4: {  	[dreg:$0x0] =	wrdreg $0x60  }
0xb5: {  	[dreg:$0x2] =	wrdreg s24  }
0xb6: {  	[dreg:$0x3] =	wrdreg s15  }
0xb7: {  	[dreg:$0x4] =	wrdreg s4  }
0xb8: {  	[dreg:$0x5] =	wrdreg s16  }
0xb9: {  	[dreg:$0x6] =	wrdreg $0x9  }
0xba: {  	_ =	task.clear_ibuf [dreg:s9], $0x7FFFF;
	_ =	strace $0x90000046  }
0xbb: {  	s29 =	simm.s32 $0x9;
	_ =	strace $0x80000048  }
0xbc: {  	_ =	swait.ge [sflag:s29], $0x1  }
0xbd: {  	[sflag:s29] =	ssyncadd.s32 $0xFFFFFFFF  }
0xbe: {  	_ =	strace $0x90000048  }
0xbf: {  	_ =	sfence  }
0xc0: {  	s30 =	sld [smem:$0x0];
	_ =	sdelay $0x2  }
0xc1: {  	s31 =	sshll.u32 s1, $0xD;
	s1 =	sshrl.u32 s1, $0x2  }
0xc2: {  	s3 =	sand.u32 $0x4000, s31;
	s1 =	sadd.s32 s1, s30  }
0xc3: {  	s0 =	sor.u32 s3, s0;
	s1 =	sshll.u32 s1, $0x11  }
0xc4: {  	s0 =	sor.u32 s1, s0  }
0xc5: {  	s0 =	sadd.s32 $0x8F2B, s0  }
0xc6: {  	[sflag:s0] =	ssyncadd.remote.s32 $0x1  }
0xc7: {  	_ =	sfence.sel $0xFFFF  }
0xc8: {  	[dreg:$0x0] =	wrdreg $0xFFFFFFFF;
	(pc) =	sbr.abs _section_cstart, $3  }
0xc9: {  	[dreg:$0x1] =	wrdreg $0xFFFFFFFF  }
0xca: {  	_ =	task.clear_ibuf [dreg:s9], $0x2FFFF;
	_ =	strace $0x9FFFFFFF  }
0xcb: {  	(tm) =	ssettm $0x7FFFFFFF  }
tec
execute0_lowered:
.L_overlay_start_1:
0x0: {  	(tag) =	ssettag $0x1  }
0x1: {  	s4 =	rddreg [dreg:$0x0]  }
0x2: {  	s6 =	rddreg [dreg:$0x1]  }
0x3: {  	s1 =	srdreg.scid;
	s8 =	rddreg [dreg:$0x2]  }
0x4: {  	s0 =	stileid.u32;
	s5 =	rddreg [dreg:$0x3];
	s2 =	simm.s32 $0x0  }
0x5: {  	s14 =	simm.s32 $0x6E00;
	s15 =	simm.s32 $0x7800;
	s16 =	simm.s32 $0x8200  }
0x6: {  	s17 =	simm.s32 $0x8C00;
	s18 =	simm.s32 $0x1;
	s19 =	simm.s32 $0x9600  }
0x7: {  	s20 =	simm.s32 $0xB600;
	s21 =	simm.s32 $0x80;
	s22 =	simm.s32 $0xB680  }
0x8: {  	s23 =	simm.s32 $0x0;
	s3 =	sand.u32 $0x1, s1;
	s1 =	rddreg [dreg:$0x4]  }
0x9: {  	s7 =	sshll.u32 s0, $0x8;
	[smem:$0x7FF] =	sst s2;
	s9 =	sshll.u32 s3, $0x7  }
0xa: {  	_ =	strace $0x80000047;
	s10 =	ssub.s32 $0x2, s3;
	s7 =	sor.u32 s9, s7  }
0xb: {  	s3 =	sadd.s32 $0x188000, s4;
	s12 =	sshrl.u32 s10, $0x1;
	s9 =	smul.u32 $0x19, s7  }
0xc: {  	s11 =	sshll.u32 s7, $0x3;
	s10 =	ssub.s32 s10, s12;
	s31 =	sshrl.u32 s7, $0x3  }
0xd: {  	s12 =	simm.s32 $0x28;
	s13 =	sadd.s32 s11, s4;
	s5 =	sadd.s32 s5, s11  }
0xe: {  	s6 =	sadd.s32 s6, s31;
	s8 =	sadd.s32 s8, s31;
	s10 =	smax.u32 s10, $0x1  }
0xf: {  	s11 =	simm.s32 $0x2;
	s9 =	sadd.s32 s9, s4;
	s7 =	sadd.s32 $0x22600, s13  }
0x10: {  	s4 =	sadd.s32 $0x1600, s9;
	s9 =	sadd.s32 $0x1A600, s13;
	s13 =	simm.s32 $0x6400  }
.LBB2_1:
0x11: {  	[tilespmem:s2], [sflag:$0x2] =	stream.linear.gather [hbm4b:s4+s2], $0x6400, $0x38;
	[tilespmem:$0xD680] =	vst v63  }
0x12: {  	_ =	swait.ge [sflag:s11], $0x6400  }
0x13: {  	[sflag:s11] =	ssyncset.done $0x0  }
0x14: {  	s24 =	simm.s32 $0x0;
	[sflag:s11] =	ssyncadd.s32 $0xFFFF9C00  }
.LBB2_2:
0x15: {  	s25 =	smul.u32 $0x320, s24;
	_ =	sdelay $0x1  }
0x16: {  	s25 =	sshra.s32 s25, $0x2  }
0x17: {  	[tilespmem:s13], [sflag:$0x1] =	stream.indirect.gather [hbm4b:s3+s12], $0x40, s25, s12, $0xb8;
	[tilespmem:$0xD680] =	vst v63  }
0x18: {  	s26 =	sadd.s32 $0x28, s25  }
0x19: {  	[tilespmem:s14], [sflag:$0x1] =	stream.indirect.gather [hbm4b:s3+s12], $0x40, s26, s12, $0xb8;
	[tilespmem:$0xD680] =	vst v63  }
0x1a: {  	s29 =	sadd.s32 $0x50, s25  }
0x1b: {  	[tilespmem:s15], [sflag:$0x1] =	stream.indirect.gather [hbm4b:s3+s12], $0x40, s29, s12, $0xb8;
	[tilespmem:$0xD680] =	vst v63  }
0x1c: {  	s30 =	sadd.s32 $0x78, s25  }
0x1d: {  	[tilespmem:s16], [sflag:$0x1] =	stream.indirect.gather [hbm4b:s3+s12], $0x40, s30, s12, $0xb8;
	[tilespmem:$0xD680] =	vst v63  }
0x1e: {  	s25 =	sadd.s32 $0xA0, s25  }
0x1f: {  	[tilespmem:s17], [sflag:$0x1] =	stream.indirect.gather [hbm4b:s3+s12], $0x40, s25, s12, $0xb8;
	[tilespmem:$0xD680] =	vst v63  }
0x20: {  	_ =	swait.ge [sflag:s18], $0xA00  }
0x21: {  	[sflag:s18] =	ssyncset.done $0x0  }
0x22: {  	[sflag:s18] =	ssyncadd.s32 $0xFFFFF600  }
0x23: {  	_ =	swait.ge [sflag:s18], $0xA00  }
0x24: {  	[sflag:s18] =	ssyncset.done $0x0  }
0x25: {  	[sflag:s18] =	ssyncadd.s32 $0xFFFFF600  }
0x26: {  	_ =	swait.ge [sflag:s18], $0xA00  }
0x27: {  	[sflag:s18] =	ssyncset.done $0x0  }
0x28: {  	[sflag:s18] =	ssyncadd.s32 $0xFFFFF600  }
0x29: {  	_ =	swait.ge [sflag:s18], $0xA00  }
0x2a: {  	[sflag:s18] =	ssyncset.done $0x0  }
0x2b: {  	[sflag:s18] =	ssyncadd.s32 $0xFFFFF600  }
0x2c: {  	_ =	swait.ge [sflag:s18], $0xA00  }
0x2d: {  	[sflag:s18] =	ssyncset.done $0x0  }
0x2e: {  	s31 =	simm.s32 $0x0;
	[sflag:s18] =	ssyncadd.s32 $0xFFFFF600  }
0x2f: {  	v1 =	vld [tilespmem:s31+$0x6430]  }
0x30: {  	v2 =	vld [tilespmem:s31+$0x6400]  }
0x31: {  	v0 =	vimm.f32 $0.0e+00;
	v3 =	vld [tilespmem:s31+$0x6410]  }
0x32: {  	v7 =	vimm.f32 $0.0e+00;
	v6 =	vimm.f32 $0.0e+00;
	v5 =	vimm.f32 $0.0e+00;
	s25 =	simm.s32 $0x100;
	v4 =	vld [tilespmem:s31+$0x6420]  }
.LBB2_3:
0x33: {  	p0 =	sne.s32 s25, $0xC700  }
.Ltmp0:
0x34: {  	s26 =	sshra.s32 s25, $0x2;
	s25 =	sadd.s32 $0x100, s25;
	v0 =	vadd.f32 v1, v0;
	(pc) =	sbr.rel @p0 .LBB2_3-.Ltmp0, $4  }
0x35: {  	v1 =	vld [tilespmem:s26+$0x6430];
	v7 =	vadd.f32 v2, v7  }
0x36: {  	v2 =	vld [tilespmem:s26+$0x6400];
	v6 =	vadd.f32 v3, v6  }
0x37: {  	v3 =	vld [tilespmem:s26+$0x6410];
	v5 =	vadd.f32 v4, v5  }
0x38: {  	v4 =	vld [tilespmem:s26+$0x6420]  }
0x39: {  	s25 =	sshll.u32 s24, $0x6;
	s24 =	sadd.s32 $0x1, s24  }
0x3a: {  	v0 =	vadd.f32 v1, v0;
	p0 =	sne.s32 s24, $0x80  }
.Ltmp1:
0x3b: {  	s25 =	sand.u32 $0x3FFFFFC0, s25;
	v2 =	vadd.f32 v2, v7;
	(pc) =	sbr.rel @p0 .LBB2_2-.Ltmp1, $4  }
0x3c: {  	v3 =	vadd.f32 v3, v6;
	[tilespmem:s25+$0x9630] =	vst v0  }
0x3d: {  	v4 =	vadd.f32 v4, v5;
	[tilespmem:s25+$0x9600] =	vst v2  }
0x3e: {  	[tilespmem:s25+$0x9610] =	vst v3  }
0x3f: {  	[tilespmem:s25+$0x9620] =	vst v4  }
0x40: {  	[hbm4b:s5+s2] =	stream.linear.scatter [tilespmem:s19], [sflag:$0x2], $0x2000, $0x38;
	[tilespmem:$0xD680] =	vst v63  }
0x41: {  	_ =	swait.ge [sflag:s11], $0x2000  }
0x42: {  	[sflag:s11] =	ssyncset.done $0x0  }
0x43: {  	[sflag:s11] =	ssyncadd.s32 $0xFFFFE000  }
0x44: {  	[tilespmem:s20], [sflag:$0x2] =	stream.linear.gather [hbm4b:s6+s2], $0x80, $0x38;
	[tilespmem:$0xD680] =	vst v63  }
0x45: {  	_ =	swait.ge [sflag:s11], $0x80  }
0x46: {  	[sflag:s11] =	ssyncset.done $0x0  }
0x47: {  	[sflag:s11] =	ssyncadd.s32 $0xFFFFFF80  }
0x48: {  	[tilespmem:s22], [sflag:$0x1] =	stream.indirect.gather [hbm4b:s3+s21], $0x40, s20, s21, $0xb8;
	[tilespmem:$0xD680] =	vst v63  }
0x49: {  	_ =	swait.ge [sflag:s18], $0x2000  }
0x4a: {  	[sflag:s18] =	ssyncset.done $0x0  }
0x4b: {  	[sflag:s18] =	ssyncadd.s32 $0xFFFFE000  }
0x4c: {  	[hbm4b:s7+s2] =	stream.linear.scatter [tilespmem:s22], [sflag:$0x2], $0x2000, $0x38;
	[tilespmem:$0xD680] =	vst v63  }
0x4d: {  	_ =	swait.ge [sflag:s11], $0x2000  }
0x4e: {  	[sflag:s11] =	ssyncset.done $0x0  }
0x4f: {  	[sflag:s11] =	ssyncadd.s32 $0xFFFFE000  }
0x50: {  	[tilespmem:s20], [sflag:$0x2] =	stream.linear.gather [hbm4b:s8+s2], $0x80, $0x38;
	[tilespmem:$0xD680] =	vst v63  }
0x51: {  	_ =	swait.ge [sflag:s11], $0x80  }
0x52: {  	[sflag:s11] =	ssyncset.done $0x0  }
0x53: {  	[sflag:s11] =	ssyncadd.s32 $0xFFFFFF80  }
0x54: {  	[tilespmem:s22], [sflag:$0x1] =	stream.indirect.gather [hbm4b:s3+s21], $0x40, s20, s21, $0xb8;
	[tilespmem:$0xD680] =	vst v63  }
0x55: {  	s23 =	sadd.s32 $0x1, s23;
	_ =	swait.ge [sflag:s18], $0x2000  }
0x56: {  	p0 =	sne.s32 s23, s10;
	[sflag:s18] =	ssyncset.done $0x0  }
.Ltmp2:
0x57: {  	[sflag:s18] =	ssyncadd.s32 $0xFFFFE000;
	(pc) =	sbr.rel @p0 .LBB2_1-.Ltmp2, $4  }
0x58: {  	[hbm4b:s9+s2] =	stream.linear.scatter [tilespmem:s22], [sflag:$0x2], $0x2000, $0x38;
	[tilespmem:$0xD680] =	vst v63  }
0x59: {  	_ =	swait.ge [sflag:s11], $0x2000  }
0x5a: {  	[sflag:s11] =	ssyncset.done $0x0  }
0x5b: {  	[sflag:s11] =	ssyncadd.s32 $0xFFFFE000  }
0x5c: {  	_ =	sfence.sel $0x180000  }
0x5d: {  	[bflag:$0x0] =	sbarrier.arrive $0xFFFF  }
0x5e: {  	p0 =	sne.s32 s0, $0x0;
	_ =	strace $0x90000047  }
0x5f: {  	s0 =	sadd.s32 @!p0 $0x100000, s1;
	[bflag:$0x2] =	sbarrier.arrive $0xFFFF  }
0x60: {  	[sflag:s0] =	ssyncadd.tile.s32 @!p0 $0x1;
	_ =	shalt  }
.Lfunc_end2:
_tile_overlayer_lowered:
.L_overlay_start_2:
0x61: {  	(tag) =	ssettag $0x2  }
0x62: {  	s0 =	rddreg [dreg:$0x0];
	s2 =	stileid.u32  }
0x63: {  	s1 =	rddreg [dreg:$0x1];
	p0 =	sne.s32 s2, $0x0  }
0x64: {  	s3 =	rddreg [dreg:$0x2];
	[bflag:$0x3] =	sbarrier.arrive $0xFFFF;
	s2 =	simm.s32 @!p0 $0x1C02  }
0x65: {  	[timem:s3], [sflag:s2] =	dma.local @!p0 [hbm:s0], s1  }
0x66: {  	s0 =	simm.s32 @!p0 $0x2  }
0x67: {  	_ =	swait.ge @!p0 [sflag:s0], s1  }
0x68: {  	s1 =	ssub.s32 @!p0 $0x0, s1;
	[sflag:s0] =	ssyncset.done @!p0 $0x0  }
0x69: {  	[sflag:s0] =	ssyncadd.s32 @!p0 s1  }
0x6a: {  	[bflag:$0x3] =	sbarrier.arrive $0xFFFF  }
0x6b: {  	_ =	shalt  }

</sc_bundles>
